<compile_context>
chip_gen: v7x
topology: tpu7x:2x2x1
jax: 0.10.2.dev20260603
libtpu: 0.0.44.dev20260713+nightly
codegen_flags: <defaults>
</compile_context>

<pallas_src>
import functools

import jax
import jax.numpy as jnp
from jax import lax
from jax.experimental import pallas as pl
from jax.experimental.pallas import tpu as pltpu
from jax.experimental.pallas import tpu_sc as plsc

_ALPHA = 2.0 / 1001.0

def _counts_sc_body(b, cpad, lab_hbm, out_hbm, lab_v, cnt_v):
    cid = lax.axis_index("c")
    sid = lax.axis_index("s")

    @pl.when((cid == 0) & (sid == 0))
    def _():
        pltpu.sync_copy(lab_hbm, lab_v)
        for i in range(cpad // 16):
            cnt_v[pl.ds(i * 16, 16)] = jnp.zeros((16,), jnp.float32)
        ones = jnp.ones((16,), jnp.float32)
        for i in range(b // 16):
            idx = lab_v[pl.ds(i * 16, 16)]
            plsc.addupdate_scatter(cnt_v, [idx], ones)
        pltpu.sync_copy(cnt_v, out_hbm)


def _segment_counts(labels, num_classes):
    b = labels.shape[0]
    cpad = max(16 * pl.cdiv(num_classes, 16), 128)
    mesh = plsc.VectorSubcoreMesh(core_axis_name="c", subcore_axis_name="s")
    counts = pl.kernel(
        functools.partial(_counts_sc_body, b, cpad),
        mesh=mesh,
        out_type=jax.ShapeDtypeStruct((cpad,), jnp.float32),
        scratch_types=[
            pltpu.VMEM((b,), jnp.int32),
            pltpu.VMEM((cpad,), jnp.float32),
        ],
        compiler_params=pltpu.CompilerParams(needs_layout_passes=False),
    )(labels)
    return counts


def _tile_body(c, sv_ref, w_ref, lab_ref, cnt_ref, cent_ref, init_ref, out_ref):
    x = jnp.abs(sv_ref[...] * w_ref[...])
    b = x.shape[0]
    labs = lab_ref[0, :]
    onehot = (labs[None, :] == lax.broadcasted_iota(jnp.int32, (c, b), 0))
    sums = jnp.dot(onehot.astype(jnp.bfloat16), x.astype(jnp.bfloat16),
                   preferred_element_type=jnp.float32)
    counts = cnt_ref[...]
    mean = sums / jnp.maximum(counts, 1.0)
    cent = cent_ref[...]
    lerped = cent + (mean - cent) * _ALPHA
    upd = jnp.where(init_ref[...] > 0.0, lerped, mean)
    out_ref[...] = jnp.where(counts > 0.0, upd, cent)


def kernel(sparse_vector, W_eff, labels, centroids, initialized):
    b, v = sparse_vector.shape
    c = centroids.shape[0]
    tv = 2048
    num_tiles = pl.cdiv(v, tv)

    lab2d = labels.reshape(1, b)
    init_f = initialized.astype(jnp.float32).reshape(c, 1)
    counts = _segment_counts(labels, c)[:c].reshape(c, 1)

    grid_spec = pl.GridSpec(
        grid=(num_tiles,),
        in_specs=[
            pl.BlockSpec((b, tv), lambda i: (0, i)),
            pl.BlockSpec((b, tv), lambda i: (0, i)),
            pl.BlockSpec((1, b), lambda i: (0, 0)),
            pl.BlockSpec((c, 1), lambda i: (0, 0)),
            pl.BlockSpec((c, tv), lambda i: (0, i)),
            pl.BlockSpec((c, 1), lambda i: (0, 0)),
        ],
        out_specs=pl.BlockSpec((c, tv), lambda i: (0, i)),
    )
    out = pl.pallas_call(
        functools.partial(_tile_body, c),
        grid_spec=grid_spec,
        out_shape=jax.ShapeDtypeStruct((c, v), jnp.float32),
        compiler_params=pltpu.CompilerParams(
            dimension_semantics=("parallel",),
            vmem_limit_bytes=100 * 1024 * 1024),
    )(sparse_vector, W_eff, lab2d, counts, centroids, init_f)
    return out

# --- scband reference (transcript-rebuilt; emitter-appended) ---
"""Pipeline reference for scband-attribution-centroid-tracker-26207890440396 (READ-ONLY COPY).

The authoritative reference and input builder live on the scoring server;
editing this copy changes nothing except your own understanding.
"""

import jax, jax.numpy as jnp
import numpy as np

NUM_CLASSES = 100
VOCAB = 100000
BATCH = 1024
STEPS_PER_EPOCH = 1000
MOMENTUM = 1.0 - 2.0 / (STEPS_PER_EPOCH + 1)

# compute_attribution_tensor is undefined in the source snippet; we use the
# standard attribution form attr = sparse_vector * W_eff (elementwise
# input-times-effective-weight attribution). Labels only determine grouping.

def setup_inputs(seed: int = 0) -> dict:
    key = jax.random.key(seed)
    k1, k2, k3, k4 = jax.random.split(key, 4)
    sparse_vector = jax.random.normal(k1, (BATCH, VOCAB), dtype=jnp.float32)
    W_eff = jax.random.normal(k2, (BATCH, VOCAB), dtype=jnp.float32)
    labels = jax.random.randint(k3, (BATCH,), 0, NUM_CLASSES, dtype=jnp.int32)
    centroids = jax.random.normal(k4, (NUM_CLASSES, VOCAB), dtype=jnp.float32)
    initialized = jnp.ones((NUM_CLASSES,), dtype=bool)
    return {"sparse_vector": sparse_vector, "W_eff": W_eff, "labels": labels,
            "centroids": centroids, "initialized": initialized}


def reference(sparse_vector, W_eff, labels, centroids, initialized):
    # Vectorized equivalent of the per-class Python loop in update():
    # per-class mean of |attribution| via segment reductions (scatter-add).
    abs_attr = jnp.abs(sparse_vector * W_eff)                      # [B, V]
    sums = jax.ops.segment_sum(abs_attr, labels, num_segments=NUM_CLASSES)   # [C, V]
    counts = jax.ops.segment_sum(jnp.ones((sparse_vector.shape[0],), jnp.float32),
                                 labels, num_segments=NUM_CLASSES)           # [C]
    mean_attr = sums / jnp.clip(counts, 1.0)[:, None]              # [C, V]
    has_class = counts > 0
    # centroids[c].lerp_(attr, 1 - momentum)
    lerped = centroids + (mean_attr - centroids) * (1.0 - MOMENTUM)
    new_centroids = jnp.where(has_class[:, None],
                              jnp.where(initialized[:, None], lerped, mean_attr),
                              centroids)
    return new_centroids

if __name__ == "__main__":
    import jax
    _d = setup_inputs()
    print(jax.jit(kernel)(*tuple(_d.values())))

</pallas_src>

<mosaic_0001>
#map = affine_map<(d0, d1) -> (0)>
module attributes {stable_mosaic.version = 14 : i64} {
  func.func @_counts_sc_body(%arg0: i32, %arg1: i32, %arg2: memref<1024xi32, #tpu.memory_space<hbm>>, %arg3: memref<128xf32, #tpu.memory_space<hbm>>, %arg4: memref<1024xi32, #tpu.memory_space<vmem>>, %arg5: memref<128xf32, #tpu.memory_space<vmem>>) attributes {dimension_semantics = [#tpu.dimension_semantics<core_parallel>, #tpu.dimension_semantics<subcore_parallel>], iteration_bounds = array<i64: 2, 16>, scalar_prefetch = 0 : i64, scratch_operands = 2 : i64, tpu.core_type = #tpu.core_type<sc_vector_subcore>, window_params = [{transform_indices = #map}, {transform_indices = #map}]} {
    %eq3A = arith.constant 0 : i32
    %eq3A_0 = arith.cmpi eq, %arg0, %eq3A : i32
    %eq3A_1 = arith.constant 0 : i32
    %eq3A_2 = arith.cmpi eq, %arg1, %eq3A_1 : i32
    %and3A = arith.andi %eq3A_0, %eq3A_2 : i1
    %convert_element_type3A = arith.extui %and3A : i1 to i32
    %cond3A = arith.constant 0 : i32
    %cond3A_3 = arith.cmpi ne, %convert_element_type3A, %cond3A : i32
    scf.if %cond3A_3 {
      "tpu.region"() ({
        %run_scoped3A = tpu.sem_alloc : memref<!tpu.dma_semaphore, #tpu.memory_space<semaphore_mem>>
        tpu.enqueue_dma source(%arg2 : memref<1024xi32, #tpu.memory_space<hbm>>) target(%arg4 : memref<1024xi32, #tpu.memory_space<vmem>>) target_semaphore(%run_scoped3A : memref<!tpu.dma_semaphore, #tpu.memory_space<semaphore_mem>>)
        tpu.wait_dma2 semaphore(%run_scoped3A : memref<!tpu.dma_semaphore, #tpu.memory_space<semaphore_mem>>) src(%arg2 : memref<1024xi32, #tpu.memory_space<hbm>>) dst(%arg4 : memref<1024xi32, #tpu.memory_space<vmem>>)
        tpu.yield
      }) : () -> ()
      %broadcast_in_dim3A = arith.constant 0.000000e+00 : f32
      %broadcast_in_dim3A_4 = vector.broadcast %broadcast_in_dim3A : f32 to vector<16xf32>
      %swap3A = arith.constant 0 : index
      %swap3A_5 = tpu.vector_load %arg5[%swap3A] {strides = array<i32>} : memref<128xf32, #tpu.memory_space<vmem>>, vector<16xf32>,
      tpu.vector_store %arg5[%swap3A], %broadcast_in_dim3A_4 {strides = array<i32>} : memref<128xf32, #tpu.memory_space<vmem>>, vector<16xf32>,
      %broadcast_in_dim3A_6 = arith.constant 0.000000e+00 : f32
      %broadcast_in_dim3A_7 = vector.broadcast %broadcast_in_dim3A_6 : f32 to vector<16xf32>
      %swap3A_8 = arith.constant 16 : index
      %swap3A_9 = tpu.vector_load %arg5[%swap3A_8] {strides = array<i32>} : memref<128xf32, #tpu.memory_space<vmem>>, vector<16xf32>,
      tpu.vector_store %arg5[%swap3A_8], %broadcast_in_dim3A_7 {strides = array<i32>} : memref<128xf32, #tpu.memory_space<vmem>>, vector<16xf32>,
      %broadcast_in_dim3A_10 = arith.constant 0.000000e+00 : f32
      %broadcast_in_dim3A_11 = vector.broadcast %broadcast_in_dim3A_10 : f32 to vector<16xf32>
      %swap3A_12 = arith.constant 32 : index
      %swap3A_13 = tpu.vector_load %arg5[%swap3A_12] {strides = array<i32>} : memref<128xf32, #tpu.memory_space<vmem>>, vector<16xf32>,
      tpu.vector_store %arg5[%swap3A_12], %broadcast_in_dim3A_11 {strides = array<i32>} : memref<128xf32, #tpu.memory_space<vmem>>, vector<16xf32>,
      %broadcast_in_dim3A_14 = arith.constant 0.000000e+00 : f32
      %broadcast_in_dim3A_15 = vector.broadcast %broadcast_in_dim3A_14 : f32 to vector<16xf32>
      %swap3A_16 = arith.constant 48 : index
      %swap3A_17 = tpu.vector_load %arg5[%swap3A_16] {strides = array<i32>} : memref<128xf32, #tpu.memory_space<vmem>>, vector<16xf32>,
      tpu.vector_store %arg5[%swap3A_16], %broadcast_in_dim3A_15 {strides = array<i32>} : memref<128xf32, #tpu.memory_space<vmem>>, vector<16xf32>,
      %broadcast_in_dim3A_18 = arith.constant 0.000000e+00 : f32
      %broadcast_in_dim3A_19 = vector.broadcast %broadcast_in_dim3A_18 : f32 to vector<16xf32>
      %swap3A_20 = arith.constant 64 : index
      %swap3A_21 = tpu.vector_load %arg5[%swap3A_20] {strides = array<i32>} : memref<128xf32, #tpu.memory_space<vmem>>, vector<16xf32>,
      tpu.vector_store %arg5[%swap3A_20], %broadcast_in_dim3A_19 {strides = array<i32>} : memref<128xf32, #tpu.memory_space<vmem>>, vector<16xf32>,
      %broadcast_in_dim3A_22 = arith.constant 0.000000e+00 : f32
      %broadcast_in_dim3A_23 = vector.broadcast %broadcast_in_dim3A_22 : f32 to vector<16xf32>
      %swap3A_24 = arith.constant 80 : index
      %swap3A_25 = tpu.vector_load %arg5[%swap3A_24] {strides = array<i32>} : memref<128xf32, #tpu.memory_space<vmem>>, vector<16xf32>,
      tpu.vector_store %arg5[%swap3A_24], %broadcast_in_dim3A_23 {strides = array<i32>} : memref<128xf32, #tpu.memory_space<vmem>>, vector<16xf32>,
      %broadcast_in_dim3A_26 = arith.constant 0.000000e+00 : f32
      %broadcast_in_dim3A_27 = vector.broadcast %broadcast_in_dim3A_26 : f32 to vector<16xf32>
      %swap3A_28 = arith.constant 96 : index
      %swap3A_29 = tpu.vector_load %arg5[%swap3A_28] {strides = array<i32>} : memref<128xf32, #tpu.memory_space<vmem>>, vector<16xf32>,
      tpu.vector_store %arg5[%swap3A_28], %broadcast_in_dim3A_27 {strides = array<i32>} : memref<128xf32, #tpu.memory_space<vmem>>, vector<16xf32>,
      %broadcast_in_dim3A_30 = arith.constant 0.000000e+00 : f32
      %broadcast_in_dim3A_31 = vector.broadcast %broadcast_in_dim3A_30 : f32 to vector<16xf32>
      %swap3A_32 = arith.constant 112 : index
      %swap3A_33 = tpu.vector_load %arg5[%swap3A_32] {strides = array<i32>} : memref<128xf32, #tpu.memory_space<vmem>>, vector<16xf32>,
      tpu.vector_store %arg5[%swap3A_32], %broadcast_in_dim3A_31 {strides = array<i32>} : memref<128xf32, #tpu.memory_space<vmem>>, vector<16xf32>,
      %broadcast_in_dim3A_34 = arith.constant 1.000000e+00 : f32
      %broadcast_in_dim3A_35 = vector.broadcast %broadcast_in_dim3A_34 : f32 to vector<16xf32>
      %get3A = arith.constant 0 : index
      %get3A_36 = tpu.vector_load %arg4[%get3A] {strides = array<i32>} : memref<1024xi32, #tpu.memory_space<vmem>>, vector<16xi32>,
      tpu.vector_store_idx %arg5[%get3A_36], %broadcast_in_dim3A_35 {add = true} : memref<128xf32, #tpu.memory_space<vmem>>[vector<16xi32>], vector<16xf32>,
      %get3A_37 = arith.constant 16 : index
      %get3A_38 = tpu.vector_load %arg4[%get3A_37] {strides = array<i32>} : memref<1024xi32, #tpu.memory_space<vmem>>, vector<16xi32>,
      tpu.vector_store_idx %arg5[%get3A_38], %broadcast_in_dim3A_35 {add = true} : memref<128xf32, #tpu.memory_space<vmem>>[vector<16xi32>], vector<16xf32>,
      %get3A_39 = arith.constant 32 : index
      %get3A_40 = tpu.vector_load %arg4[%get3A_39] {strides = array<i32>} : memref<1024xi32, #tpu.memory_space<vmem>>, vector<16xi32>,
      tpu.vector_store_idx %arg5[%get3A_40], %broadcast_in_dim3A_35 {add = true} : memref<128xf32, #tpu.memory_space<vmem>>[vector<16xi32>], vector<16xf32>,
      %get3A_41 = arith.constant 48 : index
      %get3A_42 = tpu.vector_load %arg4[%get3A_41] {strides = array<i32>} : memref<1024xi32, #tpu.memory_space<vmem>>, vector<16xi32>,
      tpu.vector_store_idx %arg5[%get3A_42], %broadcast_in_dim3A_35 {add = true} : memref<128xf32, #tpu.memory_space<vmem>>[vector<16xi32>], vector<16xf32>,
      %get3A_43 = arith.constant 64 : index
      %get3A_44 = tpu.vector_load %arg4[%get3A_43] {strides = array<i32>} : memref<1024xi32, #tpu.memory_space<vmem>>, vector<16xi32>,
      tpu.vector_store_idx %arg5[%get3A_44], %broadcast_in_dim3A_35 {add = true} : memref<128xf32, #tpu.memory_space<vmem>>[vector<16xi32>], vector<16xf32>,
      %get3A_45 = arith.constant 80 : index
      %get3A_46 = tpu.vector_load %arg4[%get3A_45] {strides = array<i32>} : memref<1024xi32, #tpu.memory_space<vmem>>, vector<16xi32>,
      tpu.vector_store_idx %arg5[%get3A_46], %broadcast_in_dim3A_35 {add = true} : memref<128xf32, #tpu.memory_space<vmem>>[vector<16xi32>], vector<16xf32>,
      %get3A_47 = arith.constant 96 : index
      %get3A_48 = tpu.vector_load %arg4[%get3A_47] {strides = array<i32>} : memref<1024xi32, #tpu.memory_space<vmem>>, vector<16xi32>,
      tpu.vector_store_idx %arg5[%get3A_48], %broadcast_in_dim3A_35 {add = true} : memref<128xf32, #tpu.memory_space<vmem>>[vector<16xi32>], vector<16xf32>,
      %get3A_49 = arith.constant 112 : index
      %get3A_50 = tpu.vector_load %arg4[%get3A_49] {strides = array<i32>} : memref<1024xi32, #tpu.memory_space<vmem>>, vector<16xi32>,
      tpu.vector_store_idx %arg5[%get3A_50], %broadcast_in_dim3A_35 {add = true} : memref<128xf32, #tpu.memory_space<vmem>>[vector<16xi32>], vector<16xf32>,
      %get3A_51 = arith.constant 128 : index
      %get3A_52 = tpu.vector_load %arg4[%get3A_51] {strides = array<i32>} : memref<1024xi32, #tpu.memory_space<vmem>>, vector<16xi32>,
      tpu.vector_store_idx %arg5[%get3A_52], %broadcast_in_dim3A_35 {add = true} : memref<128xf32, #tpu.memory_space<vmem>>[vector<16xi32>], vector<16xf32>,
      %get3A_53 = arith.constant 144 : index
      %get3A_54 = tpu.vector_load %arg4[%get3A_53] {strides = array<i32>} : memref<1024xi32, #tpu.memory_space<vmem>>, vector<16xi32>,
      tpu.vector_store_idx %arg5[%get3A_54], %broadcast_in_dim3A_35 {add = true} : memref<128xf32, #tpu.memory_space<vmem>>[vector<16xi32>], vector<16xf32>,
      %get3A_55 = arith.constant 160 : index
      %get3A_56 = tpu.vector_load %arg4[%get3A_55] {strides = array<i32>} : memref<1024xi32, #tpu.memory_space<vmem>>, vector<16xi32>,
      tpu.vector_store_idx %arg5[%get3A_56], %broadcast_in_dim3A_35 {add = true} : memref<128xf32, #tpu.memory_space<vmem>>[vector<16xi32>], vector<16xf32>,
      %get3A_57 = arith.constant 176 : index
      %get3A_58 = tpu.vector_load %arg4[%get3A_57] {strides = array<i32>} : memref<1024xi32, #tpu.memory_space<vmem>>, vector<16xi32>,
      tpu.vector_store_idx %arg5[%get3A_58], %broadcast_in_dim3A_35 {add = true} : memref<128xf32, #tpu.memory_space<vmem>>[vector<16xi32>], vector<16xf32>,
      %get3A_59 = arith.constant 192 : index
      %get3A_60 = tpu.vector_load %arg4[%get3A_59] {strides = array<i32>} : memref<1024xi32, #tpu.memory_space<vmem>>, vector<16xi32>,
      tpu.vector_store_idx %arg5[%get3A_60], %broadcast_in_dim3A_35 {add = true} : memref<128xf32, #tpu.memory_space<vmem>>[vector<16xi32>], vector<16xf32>,
      %get3A_61 = arith.constant 208 : index
      %get3A_62 = tpu.vector_load %arg4[%get3A_61] {strides = array<i32>} : memref<1024xi32, #tpu.memory_space<vmem>>, vector<16xi32>,
      tpu.vector_store_idx %arg5[%get3A_62], %broadcast_in_dim3A_35 {add = true} : memref<128xf32, #tpu.memory_space<vmem>>[vector<16xi32>], vector<16xf32>,
      %get3A_63 = arith.constant 224 : index
      %get3A_64 = tpu.vector_load %arg4[%get3A_63] {strides = array<i32>} : memref<1024xi32, #tpu.memory_space<vmem>>, vector<16xi32>,
      tpu.vector_store_idx %arg5[%get3A_64], %broadcast_in_dim3A_35 {add = true} : memref<128xf32, #tpu.memory_space<vmem>>[vector<16xi32>], vector<16xf32>,
      %get3A_65 = arith.constant 240 : index
      %get3A_66 = tpu.vector_load %arg4[%get3A_65] {strides = array<i32>} : memref<1024xi32, #tpu.memory_space<vmem>>, vector<16xi32>,
      tpu.vector_store_idx %arg5[%get3A_66], %broadcast_in_dim3A_35 {add = true} : memref<128xf32, #tpu.memory_space<vmem>>[vector<16xi32>], vector<16xf32>,
      %get3A_67 = arith.constant 256 : index
      %get3A_68 = tpu.vector_load %arg4[%get3A_67] {strides = array<i32>} : memref<1024xi32, #tpu.memory_space<vmem>>, vector<16xi32>,
      tpu.vector_store_idx %arg5[%get3A_68], %broadcast_in_dim3A_35 {add = true} : memref<128xf32, #tpu.memory_space<vmem>>[vector<16xi32>], vector<16xf32>,
      %get3A_69 = arith.constant 272 : index
      %get3A_70 = tpu.vector_load %arg4[%get3A_69] {strides = array<i32>} : memref<1024xi32, #tpu.memory_space<vmem>>, vector<16xi32>,
      tpu.vector_store_idx %arg5[%get3A_70], %broadcast_in_dim3A_35 {add = true} : memref<128xf32, #tpu.memory_space<vmem>>[vector<16xi32>], vector<16xf32>,
      %get3A_71 = arith.constant 288 : index
      %get3A_72 = tpu.vector_load %arg4[%get3A_71] {strides = array<i32>} : memref<1024xi32, #tpu.memory_space<vmem>>, vector<16xi32>,
      tpu.vector_store_idx %arg5[%get3A_72], %broadcast_in_dim3A_35 {add = true} : memref<128xf32, #tpu.memory_space<vmem>>[vector<16xi32>], vector<16xf32>,
      %get3A_73 = arith.constant 304 : index
      %get3A_74 = tpu.vector_load %arg4[%get3A_73] {strides = array<i32>} : memref<1024xi32, #tpu.memory_space<vmem>>, vector<16xi32>,
      tpu.vector_store_idx %arg5[%get3A_74], %broadcast_in_dim3A_35 {add = true} : memref<128xf32, #tpu.memory_space<vmem>>[vector<16xi32>], vector<16xf32>,
      %get3A_75 = arith.constant 320 : index
      %get3A_76 = tpu.vector_load %arg4[%get3A_75] {strides = array<i32>} : memref<1024xi32, #tpu.memory_space<vmem>>, vector<16xi32>,
      tpu.vector_store_idx %arg5[%get3A_76], %broadcast_in_dim3A_35 {add = true} : memref<128xf32, #tpu.memory_space<vmem>>[vector<16xi32>], vector<16xf32>,
      %get3A_77 = arith.constant 336 : index
      %get3A_78 = tpu.vector_load %arg4[%get3A_77] {strides = array<i32>} : memref<1024xi32, #tpu.memory_space<vmem>>, vector<16xi32>,
      tpu.vector_store_idx %arg5[%get3A_78], %broadcast_in_dim3A_35 {add = true} : memref<128xf32, #tpu.memory_space<vmem>>[vector<16xi32>], vector<16xf32>,
      %get3A_79 = arith.constant 352 : index
      %get3A_80 = tpu.vector_load %arg4[%get3A_79] {strides = array<i32>} : memref<1024xi32, #tpu.memory_space<vmem>>, vector<16xi32>,
      tpu.vector_store_idx %arg5[%get3A_80], %broadcast_in_dim3A_35 {add = true} : memref<128xf32, #tpu.memory_space<vmem>>[vector<16xi32>], vector<16xf32>,
      %get3A_81 = arith.constant 368 : index
      %get3A_82 = tpu.vector_load %arg4[%get3A_81] {strides = array<i32>} : memref<1024xi32, #tpu.memory_space<vmem>>, vector<16xi32>,
      tpu.vector_store_idx %arg5[%get3A_82], %broadcast_in_dim3A_35 {add = true} : memref<128xf32, #tpu.memory_space<vmem>>[vector<16xi32>], vector<16xf32>,
      %get3A_83 = arith.constant 384 : index
      %get3A_84 = tpu.vector_load %arg4[%get3A_83] {strides = array<i32>} : memref<1024xi32, #tpu.memory_space<vmem>>, vector<16xi32>,
      tpu.vector_store_idx %arg5[%get3A_84], %broadcast_in_dim3A_35 {add = true} : memref<128xf32, #tpu.memory_space<vmem>>[vector<16xi32>], vector<16xf32>,
      %get3A_85 = arith.constant 400 : index
      %get3A_86 = tpu.vector_load %arg4[%get3A_85] {strides = array<i32>} : memref<1024xi32, #tpu.memory_space<vmem>>, vector<16xi32>,
      tpu.vector_store_idx %arg5[%get3A_86], %broadcast_in_dim3A_35 {add = true} : memref<128xf32, #tpu.memory_space<vmem>>[vector<16xi32>], vector<16xf32>,
      %get3A_87 = arith.constant 416 : index
      %get3A_88 = tpu.vector_load %arg4[%get3A_87] {strides = array<i32>} : memref<1024xi32, #tpu.memory_space<vmem>>, vector<16xi32>,
      tpu.vector_store_idx %arg5[%get3A_88], %broadcast_in_dim3A_35 {add = true} : memref<128xf32, #tpu.memory_space<vmem>>[vector<16xi32>], vector<16xf32>,
      %get3A_89 = arith.constant 432 : index
      %get3A_90 = tpu.vector_load %arg4[%get3A_89] {strides = array<i32>} : memref<1024xi32, #tpu.memory_space<vmem>>, vector<16xi32>,
      tpu.vector_store_idx %arg5[%get3A_90], %broadcast_in_dim3A_35 {add = true} : memref<128xf32, #tpu.memory_space<vmem>>[vector<16xi32>], vector<16xf32>,
      %get3A_91 = arith.constant 448 : index
      %get3A_92 = tpu.vector_load %arg4[%get3A_91] {strides = array<i32>} : memref<1024xi32, #tpu.memory_space<vmem>>, vector<16xi32>,
      tpu.vector_store_idx %arg5[%get3A_92], %broadcast_in_dim3A_35 {add = true} : memref<128xf32, #tpu.memory_space<vmem>>[vector<16xi32>], vector<16xf32>,
      %get3A_93 = arith.constant 464 : index
      %get3A_94 = tpu.vector_load %arg4[%get3A_93] {strides = array<i32>} : memref<1024xi32, #tpu.memory_space<vmem>>, vector<16xi32>,
      tpu.vector_store_idx %arg5[%get3A_94], %broadcast_in_dim3A_35 {add = true} : memref<128xf32, #tpu.memory_space<vmem>>[vector<16xi32>], vector<16xf32>,
      %get3A_95 = arith.constant 480 : index
      %get3A_96 = tpu.vector_load %arg4[%get3A_95] {strides = array<i32>} : memref<1024xi32, #tpu.memory_space<vmem>>, vector<16xi32>,
      tpu.vector_store_idx %arg5[%get3A_96], %broadcast_in_dim3A_35 {add = true} : memref<128xf32, #tpu.memory_space<vmem>>[vector<16xi32>], vector<16xf32>,
      %get3A_97 = arith.constant 496 : index
      %get3A_98 = tpu.vector_load %arg4[%get3A_97] {strides = array<i32>} : memref<1024xi32, #tpu.memory_space<vmem>>, vector<16xi32>,
      tpu.vector_store_idx %arg5[%get3A_98], %broadcast_in_dim3A_35 {add = true} : memref<128xf32, #tpu.memory_space<vmem>>[vector<16xi32>], vector<16xf32>,
      %get3A_99 = arith.constant 512 : index
      %get3A_100 = tpu.vector_load %arg4[%get3A_99] {strides = array<i32>} : memref<1024xi32, #tpu.memory_space<vmem>>, vector<16xi32>,
      tpu.vector_store_idx %arg5[%get3A_100], %broadcast_in_dim3A_35 {add = true} : memref<128xf32, #tpu.memory_space<vmem>>[vector<16xi32>], vector<16xf32>,
      %get3A_101 = arith.constant 528 : index
      %get3A_102 = tpu.vector_load %arg4[%get3A_101] {strides = array<i32>} : memref<1024xi32, #tpu.memory_space<vmem>>, vector<16xi32>,
      tpu.vector_store_idx %arg5[%get3A_102], %broadcast_in_dim3A_35 {add = true} : memref<128xf32, #tpu.memory_space<vmem>>[vector<16xi32>], vector<16xf32>,
      %get3A_103 = arith.constant 544 : index
      %get3A_104 = tpu.vector_load %arg4[%get3A_103] {strides = array<i32>} : memref<1024xi32, #tpu.memory_space<vmem>>, vector<16xi32>,
      tpu.vector_store_idx %arg5[%get3A_104], %broadcast_in_dim3A_35 {add = true} : memref<128xf32, #tpu.memory_space<vmem>>[vector<16xi32>], vector<16xf32>,
      %get3A_105 = arith.constant 560 : index
      %get3A_106 = tpu.vector_load %arg4[%get3A_105] {strides = array<i32>} : memref<1024xi32, #tpu.memory_space<vmem>>, vector<16xi32>,
      tpu.vector_store_idx %arg5[%get3A_106], %broadcast_in_dim3A_35 {add = true} : memref<128xf32, #tpu.memory_space<vmem>>[vector<16xi32>], vector<16xf32>,
      %get3A_107 = arith.constant 576 : index
      %get3A_108 = tpu.vector_load %arg4[%get3A_107] {strides = array<i32>} : memref<1024xi32, #tpu.memory_space<vmem>>, vector<16xi32>,
      tpu.vector_store_idx %arg5[%get3A_108], %broadcast_in_dim3A_35 {add = true} : memref<128xf32, #tpu.memory_space<vmem>>[vector<16xi32>], vector<16xf32>,
      %get3A_109 = arith.constant 592 : index
      %get3A_110 = tpu.vector_load %arg4[%get3A_109] {strides = array<i32>} : memref<1024xi32, #tpu.memory_space<vmem>>, vector<16xi32>,
      tpu.vector_store_idx %arg5[%get3A_110], %broadcast_in_dim3A_35 {add = true} : memref<128xf32, #tpu.memory_space<vmem>>[vector<16xi32>], vector<16xf32>,
      %get3A_111 = arith.constant 608 : index
      %get3A_112 = tpu.vector_load %arg4[%get3A_111] {strides = array<i32>} : memref<1024xi32, #tpu.memory_space<vmem>>, vector<16xi32>,
      tpu.vector_store_idx %arg5[%get3A_112], %broadcast_in_dim3A_35 {add = true} : memref<128xf32, #tpu.memory_space<vmem>>[vector<16xi32>], vector<16xf32>,
      %get3A_113 = arith.constant 624 : index
      %get3A_114 = tpu.vector_load %arg4[%get3A_113] {strides = array<i32>} : memref<1024xi32, #tpu.memory_space<vmem>>, vector<16xi32>,
      tpu.vector_store_idx %arg5[%get3A_114], %broadcast_in_dim3A_35 {add = true} : memref<128xf32, #tpu.memory_space<vmem>>[vector<16xi32>], vector<16xf32>,
      %get3A_115 = arith.constant 640 : index
      %get3A_116 = tpu.vector_load %arg4[%get3A_115] {strides = array<i32>} : memref<1024xi32, #tpu.memory_space<vmem>>, vector<16xi32>,
      tpu.vector_store_idx %arg5[%get3A_116], %broadcast_in_dim3A_35 {add = true} : memref<128xf32, #tpu.memory_space<vmem>>[vector<16xi32>], vector<16xf32>,
      %get3A_117 = arith.constant 656 : index
      %get3A_118 = tpu.vector_load %arg4[%get3A_117] {strides = array<i32>} : memref<1024xi32, #tpu.memory_space<vmem>>, vector<16xi32>,
      tpu.vector_store_idx %arg5[%get3A_118], %broadcast_in_dim3A_35 {add = true} : memref<128xf32, #tpu.memory_space<vmem>>[vector<16xi32>], vector<16xf32>,
      %get3A_119 = arith.constant 672 : index
      %get3A_120 = tpu.vector_load %arg4[%get3A_119] {strides = array<i32>} : memref<1024xi32, #tpu.memory_space<vmem>>, vector<16xi32>,
      tpu.vector_store_idx %arg5[%get3A_120], %broadcast_in_dim3A_35 {add = true} : memref<128xf32, #tpu.memory_space<vmem>>[vector<16xi32>], vector<16xf32>,
      %get3A_121 = arith.constant 688 : index
      %get3A_122 = tpu.vector_load %arg4[%get3A_121] {strides = array<i32>} : memref<1024xi32, #tpu.memory_space<vmem>>, vector<16xi32>,
      tpu.vector_store_idx %arg5[%get3A_122], %broadcast_in_dim3A_35 {add = true} : memref<128xf32, #tpu.memory_space<vmem>>[vector<16xi32>], vector<16xf32>,
      %get3A_123 = arith.constant 704 : index
      %get3A_124 = tpu.vector_load %arg4[%get3A_123] {strides = array<i32>} : memref<1024xi32, #tpu.memory_space<vmem>>, vector<16xi32>,
      tpu.vector_store_idx %arg5[%get3A_124], %broadcast_in_dim3A_35 {add = true} : memref<128xf32, #tpu.memory_space<vmem>>[vector<16xi32>], vector<16xf32>,
      %get3A_125 = arith.constant 720 : index
      %get3A_126 = tpu.vector_load %arg4[%get3A_125] {strides = array<i32>} : memref<1024xi32, #tpu.memory_space<vmem>>, vector<16xi32>,
      tpu.vector_store_idx %arg5[%get3A_126], %broadcast_in_dim3A_35 {add = true} : memref<128xf32, #tpu.memory_space<vmem>>[vector<16xi32>], vector<16xf32>,
      %get3A_127 = arith.constant 736 : index
      %get3A_128 = tpu.vector_load %arg4[%get3A_127] {strides = array<i32>} : memref<1024xi32, #tpu.memory_space<vmem>>, vector<16xi32>,
      tpu.vector_store_idx %arg5[%get3A_128], %broadcast_in_dim3A_35 {add = true} : memref<128xf32, #tpu.memory_space<vmem>>[vector<16xi32>], vector<16xf32>,
      %get3A_129 = arith.constant 752 : index
      %get3A_130 = tpu.vector_load %arg4[%get3A_129] {strides = array<i32>} : memref<1024xi32, #tpu.memory_space<vmem>>, vector<16xi32>,
      tpu.vector_store_idx %arg5[%get3A_130], %broadcast_in_dim3A_35 {add = true} : memref<128xf32, #tpu.memory_space<vmem>>[vector<16xi32>], vector<16xf32>,
      %get3A_131 = arith.constant 768 : index
      %get3A_132 = tpu.vector_load %arg4[%get3A_131] {strides = array<i32>} : memref<1024xi32, #tpu.memory_space<vmem>>, vector<16xi32>,
      tpu.vector_store_idx %arg5[%get3A_132], %broadcast_in_dim3A_35 {add = true} : memref<128xf32, #tpu.memory_space<vmem>>[vector<16xi32>], vector<16xf32>,
      %get3A_133 = arith.constant 784 : index
      %get3A_134 = tpu.vector_load %arg4[%get3A_133] {strides = array<i32>} : memref<1024xi32, #tpu.memory_space<vmem>>, vector<16xi32>,
      tpu.vector_store_idx %arg5[%get3A_134], %broadcast_in_dim3A_35 {add = true} : memref<128xf32, #tpu.memory_space<vmem>>[vector<16xi32>], vector<16xf32>,
      %get3A_135 = arith.constant 800 : index
      %get3A_136 = tpu.vector_load %arg4[%get3A_135] {strides = array<i32>} : memref<1024xi32, #tpu.memory_space<vmem>>, vector<16xi32>,
      tpu.vector_store_idx %arg5[%get3A_136], %broadcast_in_dim3A_35 {add = true} : memref<128xf32, #tpu.memory_space<vmem>>[vector<16xi32>], vector<16xf32>,
      %get3A_137 = arith.constant 816 : index
      %get3A_138 = tpu.vector_load %arg4[%get3A_137] {strides = array<i32>} : memref<1024xi32, #tpu.memory_space<vmem>>, vector<16xi32>,
      tpu.vector_store_idx %arg5[%get3A_138], %broadcast_in_dim3A_35 {add = true} : memref<128xf32, #tpu.memory_space<vmem>>[vector<16xi32>], vector<16xf32>,
      %get3A_139 = arith.constant 832 : index
      %get3A_140 = tpu.vector_load %arg4[%get3A_139] {strides = array<i32>} : memref<1024xi32, #tpu.memory_space<vmem>>, vector<16xi32>,
      tpu.vector_store_idx %arg5[%get3A_140], %broadcast_in_dim3A_35 {add = true} : memref<128xf32, #tpu.memory_space<vmem>>[vector<16xi32>], vector<16xf32>,
      %get3A_141 = arith.constant 848 : index
      %get3A_142 = tpu.vector_load %arg4[%get3A_141] {strides = array<i32>} : memref<1024xi32, #tpu.memory_space<vmem>>, vector<16xi32>,
      tpu.vector_store_idx %arg5[%get3A_142], %broadcast_in_dim3A_35 {add = true} : memref<128xf32, #tpu.memory_space<vmem>>[vector<16xi32>], vector<16xf32>,
      %get3A_143 = arith.constant 864 : index
      %get3A_144 = tpu.vector_load %arg4[%get3A_143] {strides = array<i32>} : memref<1024xi32, #tpu.memory_space<vmem>>, vector<16xi32>,
      tpu.vector_store_idx %arg5[%get3A_144], %broadcast_in_dim3A_35 {add = true} : memref<128xf32, #tpu.memory_space<vmem>>[vector<16xi32>], vector<16xf32>,
      %get3A_145 = arith.constant 880 : index
      %get3A_146 = tpu.vector_load %arg4[%get3A_145] {strides = array<i32>} : memref<1024xi32, #tpu.memory_space<vmem>>, vector<16xi32>,
      tpu.vector_store_idx %arg5[%get3A_146], %broadcast_in_dim3A_35 {add = true} : memref<128xf32, #tpu.memory_space<vmem>>[vector<16xi32>], vector<16xf32>,
      %get3A_147 = arith.constant 896 : index
      %get3A_148 = tpu.vector_load %arg4[%get3A_147] {strides = array<i32>} : memref<1024xi32, #tpu.memory_space<vmem>>, vector<16xi32>,
      tpu.vector_store_idx %arg5[%get3A_148], %broadcast_in_dim3A_35 {add = true} : memref<128xf32, #tpu.memory_space<vmem>>[vector<16xi32>], vector<16xf32>,
      %get3A_149 = arith.constant 912 : index
      %get3A_150 = tpu.vector_load %arg4[%get3A_149] {strides = array<i32>} : memref<1024xi32, #tpu.memory_space<vmem>>, vector<16xi32>,
      tpu.vector_store_idx %arg5[%get3A_150], %broadcast_in_dim3A_35 {add = true} : memref<128xf32, #tpu.memory_space<vmem>>[vector<16xi32>], vector<16xf32>,
      %get3A_151 = arith.constant 928 : index
      %get3A_152 = tpu.vector_load %arg4[%get3A_151] {strides = array<i32>} : memref<1024xi32, #tpu.memory_space<vmem>>, vector<16xi32>,
      tpu.vector_store_idx %arg5[%get3A_152], %broadcast_in_dim3A_35 {add = true} : memref<128xf32, #tpu.memory_space<vmem>>[vector<16xi32>], vector<16xf32>,
      %get3A_153 = arith.constant 944 : index
      %get3A_154 = tpu.vector_load %arg4[%get3A_153] {strides = array<i32>} : memref<1024xi32, #tpu.memory_space<vmem>>, vector<16xi32>,
      tpu.vector_store_idx %arg5[%get3A_154], %broadcast_in_dim3A_35 {add = true} : memref<128xf32, #tpu.memory_space<vmem>>[vector<16xi32>], vector<16xf32>,
      %get3A_155 = arith.constant 960 : index
      %get3A_156 = tpu.vector_load %arg4[%get3A_155] {strides = array<i32>} : memref<1024xi32, #tpu.memory_space<vmem>>, vector<16xi32>,
      tpu.vector_store_idx %arg5[%get3A_156], %broadcast_in_dim3A_35 {add = true} : memref<128xf32, #tpu.memory_space<vmem>>[vector<16xi32>], vector<16xf32>,
      %get3A_157 = arith.constant 976 : index
      %get3A_158 = tpu.vector_load %arg4[%get3A_157] {strides = array<i32>} : memref<1024xi32, #tpu.memory_space<vmem>>, vector<16xi32>,
      tpu.vector_store_idx %arg5[%get3A_158], %broadcast_in_dim3A_35 {add = true} : memref<128xf32, #tpu.memory_space<vmem>>[vector<16xi32>], vector<16xf32>,
      %get3A_159 = arith.constant 992 : index
      %get3A_160 = tpu.vector_load %arg4[%get3A_159] {strides = array<i32>} : memref<1024xi32, #tpu.memory_space<vmem>>, vector<16xi32>,
      tpu.vector_store_idx %arg5[%get3A_160], %broadcast_in_dim3A_35 {add = true} : memref<128xf32, #tpu.memory_space<vmem>>[vector<16xi32>], vector<16xf32>,
      %get3A_161 = arith.constant 1008 : index
      %get3A_162 = tpu.vector_load %arg4[%get3A_161] {strides = array<i32>} : memref<1024xi32, #tpu.memory_space<vmem>>, vector<16xi32>,
      tpu.vector_store_idx %arg5[%get3A_162], %broadcast_in_dim3A_35 {add = true} : memref<128xf32, #tpu.memory_space<vmem>>[vector<16xi32>], vector<16xf32>,
      "tpu.region"() ({
        %run_scoped3A = tpu.sem_alloc : memref<!tpu.dma_semaphore, #tpu.memory_space<semaphore_mem>>
        tpu.enqueue_dma source(%arg5 : memref<128xf32, #tpu.memory_space<vmem>>) target(%arg3 : memref<128xf32, #tpu.memory_space<hbm>>) target_semaphore(%run_scoped3A : memref<!tpu.dma_semaphore, #tpu.memory_space<semaphore_mem>>)
        tpu.wait_dma2 semaphore(%run_scoped3A : memref<!tpu.dma_semaphore, #tpu.memory_space<semaphore_mem>>) src(%arg5 : memref<128xf32, #tpu.memory_space<vmem>>) dst(%arg3 : memref<128xf32, #tpu.memory_space<hbm>>)
        tpu.yield
      }) : () -> ()
    } else {
    }
    return
  }
}

module attributes {stable_mosaic.version = 14 : i64} {
  func.func @_tile_body(%arg0: i32, %arg1: memref<1024x2048xf32, #tpu.memory_space<vmem>>, %arg2: memref<1024x2048xf32, #tpu.memory_space<vmem>>, %arg3: memref<1x1024xi32, #tpu.memory_space<vmem>>, %arg4: memref<100x1xf32, #tpu.memory_space<vmem>>, %arg5: memref<100x2048xf32, #tpu.memory_space<vmem>>, %arg6: memref<100x1xf32, #tpu.memory_space<vmem>>, %arg7: memref<100x2048xf32, #tpu.memory_space<vmem>>) attributes {dimension_semantics = [#tpu.dimension_semantics<parallel>], iteration_bounds = array<i64: 49>, scalar_prefetch = 0 : i64, scratch_operands = 0 : i64, tpu.core_type = #tpu.core_type<tc>, window_params = [{transform_indices = @transform_0, window_bounds = array<i64: 1024, 2048>}, {transform_indices = @transform_1, window_bounds = array<i64: 1024, 2048>}, {pipeline_mode = #tpu.pipeline_mode<synchronous>, transform_indices = @transform_2, window_bounds = array<i64: 1, 1024>}, {pipeline_mode = #tpu.pipeline_mode<synchronous>, transform_indices = @transform_3, window_bounds = array<i64: 100, 1>}, {transform_indices = @transform_4, window_bounds = array<i64: 100, 2048>}, {pipeline_mode = #tpu.pipeline_mode<synchronous>, transform_indices = @transform_5, window_bounds = array<i64: 100, 1>}, {transform_indices = @transform_6, window_bounds = array<i64: 100, 2048>}]} {
    %get3A = arith.constant 0 : index
    %get3A_0 = arith.constant 0 : index
    %get3A_1 = vector.load %arg1[%get3A, %get3A_0] : memref<1024x2048xf32, #tpu.memory_space<vmem>>, vector<1024x2048xf32>
    %get3A_2 = arith.constant 0 : index
    %get3A_3 = arith.constant 0 : index
    %get3A_4 = vector.load %arg2[%get3A_2, %get3A_3] : memref<1024x2048xf32, #tpu.memory_space<vmem>>, vector<1024x2048xf32>
    %mul3A = arith.mulf %get3A_1, %get3A_4 : vector<1024x2048xf32>
    %abs3A = math.absf %mul3A : vector<1024x2048xf32>
    %get3A_5 = arith.constant 0 : index
    %get3A_6 = arith.constant 0 : index
    %get3A_7 = vector.load %arg3[%get3A_5, %get3A_6] : memref<1x1024xi32, #tpu.memory_space<vmem>>, vector<1x1024xi32>
    %get3A_8 = vector.shape_cast %get3A_7 : vector<1x1024xi32> to vector<1024xi32>
    %broadcast_in_dim3A = vector.shape_cast %get3A_8 : vector<1024xi32> to vector<1x1024xi32>
    %iota3A = tpu.iota {dimensions = array<i32: 0>} : vector<100x1024xi32>
    %eq3A = vector.broadcast %broadcast_in_dim3A : vector<1x1024xi32> to vector<100x1024xi32>
    %eq3A_9 = arith.cmpi eq, %eq3A, %iota3A : vector<100x1024xi32>
    %convert_element_type3A = arith.extui %eq3A_9 : vector<100x1024xi1> to vector<100x1024xi32>
    %convert_element_type3A_10 = arith.sitofp %convert_element_type3A : vector<100x1024xi32> to vector<100x1024xf32>
    %convert_element_type3A_11 = arith.truncf %convert_element_type3A_10 : vector<100x1024xf32> to vector<100x1024xbf16>
    %convert_element_type3A_12 = arith.truncf %abs3A : vector<1024x2048xf32> to vector<1024x2048xbf16>
    %dot_general3A = arith.constant dense<0.000000e+00> : vector<100x2048xf32>
    %dot_general3A_13 = tpu.matmul %convert_element_type3A_11, %convert_element_type3A_12, %dot_general3A {dimension_numbers = #tpu.dot_dimension_numbers<[1], [0], [0], [1], [0, 0, 1, 1], [], []>, transpose_lhs_hint = false} : vector<100x1024xbf16>, vector<1024x2048xbf16>, vector<100x2048xf32> -> vector<100x2048xf32>
    %get3A_14 = arith.constant 0 : index
    %get3A_15 = arith.constant 0 : index
    %get3A_16 = vector.load %arg4[%get3A_14, %get3A_15] : memref<100x1xf32, #tpu.memory_space<vmem>>, vector<100x1xf32>
    %max3A = arith.constant 1.000000e+00 : f32
    %max3A_17 = vector.broadcast %max3A : f32 to vector<100x1xf32>
    %max3A_18 = arith.maximumf %get3A_16, %max3A_17 : vector<100x1xf32>
    %div3A = vector.broadcast %max3A_18 : vector<100x1xf32> to vector<100x2048xf32>
    %div3A_19 = arith.divf %dot_general3A_13, %div3A : vector<100x2048xf32>
    %get3A_20 = arith.constant 0 : index
    %get3A_21 = arith.constant 0 : index
    %get3A_22 = vector.load %arg5[%get3A_20, %get3A_21] : memref<100x2048xf32, #tpu.memory_space<vmem>>, vector<100x2048xf32>
    %sub3A = arith.subf %div3A_19, %get3A_22 : vector<100x2048xf32>
    %mul3A_23 = arith.constant 0.00199800194 : f32
    %mul3A_24 = vector.broadcast %mul3A_23 : f32 to vector<100x2048xf32>
    %mul3A_25 = arith.mulf %sub3A, %mul3A_24 : vector<100x2048xf32>
    %add3A = arith.addf %get3A_22, %mul3A_25 : vector<100x2048xf32>
    %get3A_26 = arith.constant 0 : index
    %get3A_27 = arith.constant 0 : index
    %get3A_28 = vector.load %arg6[%get3A_26, %get3A_27] : memref<100x1xf32, #tpu.memory_space<vmem>>, vector<100x1xf32>
    %gt3A = arith.constant 0.000000e+00 : f32
    %gt3A_29 = vector.broadcast %gt3A : f32 to vector<100x1xf32>
    %gt3A_30 = arith.cmpf ogt, %get3A_28, %gt3A_29 : vector<100x1xf32>
    %broadcast_in_dim3A_31 = vector.shape_cast %gt3A_30 : vector<100x1xi1> to vector<100x1xi1>
    %broadcast_in_dim3A_32 = vector.broadcast %broadcast_in_dim3A_31 : vector<100x1xi1> to vector<100x2048xi1>
    %select_n3A = arith.select %broadcast_in_dim3A_32, %add3A, %div3A_19 : vector<100x2048xi1>, vector<100x2048xf32>
    %gt3A_33 = arith.constant 0.000000e+00 : f32
    %gt3A_34 = vector.broadcast %gt3A_33 : f32 to vector<100x1xf32>
    %gt3A_35 = arith.cmpf ogt, %get3A_16, %gt3A_34 : vector<100x1xf32>
    %broadcast_in_dim3A_36 = vector.shape_cast %gt3A_35 : vector<100x1xi1> to vector<100x1xi1>
    %broadcast_in_dim3A_37 = vector.broadcast %broadcast_in_dim3A_36 : vector<100x1xi1> to vector<100x2048xi1>
    %select_n3A_38 = arith.select %broadcast_in_dim3A_37, %select_n3A, %get3A_22 : vector<100x2048xi1>, vector<100x2048xf32>
    %swap3A = arith.constant 0 : index
    %swap3A_39 = arith.constant 0 : index
    %swap3A_40 = vector.load %arg7[%swap3A, %swap3A_39] : memref<100x2048xf32, #tpu.memory_space<vmem>>, vector<100x2048xf32>
    tpu.vector_store %arg7[%swap3A, %swap3A_39], %select_n3A_38 {strides = array<i32>} : memref<100x2048xf32, #tpu.memory_space<vmem>>, vector<100x2048xf32>,
    return
  }
  func.func @transform_0(%arg0: i32) -> (i32, i32) {
    %c0_i32 = arith.constant 0 : i32
    %c0_i32_0 = arith.constant 0 : i32
    return %c0_i32, %arg0 : i32, i32
  }
  func.func @transform_1(%arg0: i32) -> (i32, i32) {
    %c0_i32 = arith.constant 0 : i32
    %c0_i32_0 = arith.constant 0 : i32
    return %c0_i32, %arg0 : i32, i32
  }
  func.func @transform_2(%arg0: i32) -> (i32, i32) {
    %c0_i32 = arith.constant 0 : i32
    %c0_i32_0 = arith.constant 0 : i32
    %c0_i32_1 = arith.constant 0 : i32
    return %c0_i32, %c0_i32_0 : i32, i32
  }
  func.func @transform_3(%arg0: i32) -> (i32, i32) {
    %c0_i32 = arith.constant 0 : i32
    %c0_i32_0 = arith.constant 0 : i32
    %c0_i32_1 = arith.constant 0 : i32
    return %c0_i32, %c0_i32_0 : i32, i32
  }
  func.func @transform_4(%arg0: i32) -> (i32, i32) {
    %c0_i32 = arith.constant 0 : i32
    %c0_i32_0 = arith.constant 0 : i32
    return %c0_i32, %arg0 : i32, i32
  }
  func.func @transform_5(%arg0: i32) -> (i32, i32) {
    %c0_i32 = arith.constant 0 : i32
    %c0_i32_0 = arith.constant 0 : i32
    %c0_i32_1 = arith.constant 0 : i32
    return %c0_i32, %c0_i32_0 : i32, i32
  }
  func.func @transform_6(%arg0: i32) -> (i32, i32) {
    %c0_i32 = arith.constant 0 : i32
    %c0_i32_0 = arith.constant 0 : i32
    return %c0_i32, %arg0 : i32, i32
  }
}

</mosaic_0001>

<sc_bundles>
// kernel: kernel.4.cloned.1.call-start
scs
__scs_entry_jumppad:
0x0: {  	(pc) =	sbr.rel $0x88, $3  }
0x1: {  	(tag) =	ssettag $0x0;
	lr =	simm.s32 $0x1  }
0x2: {  	[smem:$0x3F9C] =	sst lr;
	_ =	strace $0xD0000000  }
0x3: {  	_ = 	snop  }
0x4: {  	_ = 	snop  }
0x5: {  	_ = 	snop  }
0x6: {  	_ = 	snop  }
0x7: {  	_ = 	snop  }
__scs_overlays_trampoline_lowered:
0x8: {  	[smem:$0x3FAB] =	sst s0  }
0x9: {  	[smem:$0x3FAC] =	sst s1  }
0xa: {  	[smem:$0x3FAD] =	sst s2  }
0xb: {  	[smem:$0x3FAE] =	sst s3  }
0xc: {  	[smem:$0x3FAF] =	sst s4  }
0xd: {  	[smem:$0x3FB0] =	sst s5  }
0xe: {  	[smem:$0x3FB1] =	sst s6  }
0xf: {  	[smem:$0x3FB2] =	sst s7  }
0x10: {  	[smem:$0x3FB3] =	sst s8  }
0x11: {  	[smem:$0x3FB4] =	sst s9;
	s0 =	simm.s32 @!p0 $0x0  }
0x12: {  	s1 =	sld [smem:$0x3F9A];
	s0 =	simm.s32 @p0 $0x1  }
0x13: {  	[smem:$0x3FB5] =	sst s0;
	s0 =	simm.s32 @!p1 $0x0  }
0x14: {  	s2 =	sld [smem:$0x3F99];
	s0 =	simm.s32 @p1 $0x1  }
0x15: {  	[smem:$0x3FB6] =	sst s0;
	s0 =	simm.s32 @!p2 $0x0  }
0x16: {  	s3 =	sld [smem:$0x3FDB];
	s0 =	simm.s32 @p2 $0x1  }
0x17: {  	s4 =	simm.s32 $0x1BF5;
	[smem:$0x3FB8] =	sst s0  }
0x18: {  	s0 =	sld [smem:$0x3F9B];
	_ =	swait.ge [sflag:s4], $0x0  }
0x19: {  	s7 =	sld [smem:$0x3F9C]  }
0x1a: {  	s8 =	sadd.s32 $0xFFFFE003, lr  }
0x1b: {  	s9 =	sadd.s32 $0xFFFFFEF7, lr;
	s5 =	simm.s32 $0xFFFFFFFF;
	p2 =	slt.u32 s8, $0xFFFFF086  }
0x1c: {  	p1 =	slt.u32 s9, $0xF7A;
	s5 =	simm.s32 @!p2 $0x0  }
0x1d: {  	s5 =	simm.s32 @p1 $0x1;
	p0 =	seq.s32 s7, s2  }
0x1e: {  	s7 =	smul.u32 @!p0 $0xF7A, s2;
	p2 =	seq.s32 @!p0 s5, $0x0  }
0x1f: {  	s9 =	smul.u32 $0xF7A, s1;
	s8 =	simm.s32 @!p0 $0x1BF5;
	p2 =	por !p2, p0  }
0x20: {  	[sflag:s8] =	ssyncset.s32 @!p0 $0xFFFFF086;
	s6 =	sadd.s32 @!p0 s3, s7;
	s7 =	simm.s32 @!p0 $0x108  }
0x21: {  	s3 =	sadd.s32 s3, s9;
	s6 =	sadd.s32 @!p0 $0x88, s6;
	s7 =	simm.s32 @p2 $0x1082  }
0x22: {  	[simem:s7], [sflag:s8] =	dma.local @!p0 [hbm:s6], $0xF7A  }
0x23: {  	s9 =	sor.u32 $0xD0000000, s2;
	s6 =	simm.s32 $0x108;
	_ =	swait.ge @!p0 [sflag:s8], $0x0  }
0x24: {  	s3 =	sadd.s32 $0x88, s3;
	s6 =	simm.s32 @!p1 $0x1082;
	[sflag:s4] =	ssyncset.s32 $0xFFFFF086  }
0x25: {  	[simem:s6], [sflag:s4] =	dma.local [hbm:s3], $0xF7A  }
0x26: {  	[smem:$0x3F9C] =	sst s1;
	(tag) =	ssettag s2;
	_ =	strace s9  }
0x27: {  	s1 =	sld [smem:$0x3FAC]  }
0x28: {  	s2 =	sld [smem:$0x3FAD]  }
0x29: {  	s4 =	sld [smem:$0x3FAF]  }
0x2a: {  	p0 =	seq.s32 s5, $0x0;
	s5 =	sld [smem:$0x3FB0]  }
0x2b: {  	s6 =	sld [smem:$0x3FB1]  }
0x2c: {  	s7 =	sld [smem:$0x3FB2]  }
0x2d: {  	s3 =	simm.s32 $0x108;
	s8 =	sld [smem:$0x3FB3]  }
0x2e: {  	s3 =	simm.s32 @!p0 $0x1082;
	s9 =	sld [smem:$0x3FB4]  }
0x2f: {  	lr =	sadd.s32 s0, s3;
	s0 =	sld [smem:$0x3FAB]  }
0x30: {  	s3 =	sld [smem:$0x3FAE]  }
0x31: {  	[smem:$0x3FB7] =	sst s10  }
0x32: {  	s10 =	sld [smem:$0x3FB5];
	_ =	sdelay $0x3  }
0x33: {  	p0 =	seq.s32 s10, $0x1;
	s10 =	sld [smem:$0x3FB7];
	_ =	sdelay $0x3  }
0x34: {  	[smem:$0x3FB7] =	sst s10  }
0x35: {  	s10 =	sld [smem:$0x3FB6];
	_ =	sdelay $0x3  }
0x36: {  	p1 =	seq.s32 s10, $0x1;
	s10 =	sld [smem:$0x3FB7];
	_ =	sdelay $0x3  }
0x37: {  	[smem:$0x3FB7] =	sst s10  }
0x38: {  	s10 =	sld [smem:$0x3FB8]  }
0x39: {  	_ = 	snop;
	(pc) =	sbr.ind lr, $3  }
0x3a: {  	_ = 	snop  }
0x3b: {  	_ = 	snop  }
0x3c: {  	p2 =	seq.s32 s10, $0x1;
	s10 =	sld [smem:$0x3FB7]  }
0x3d: {  	_ =	shalt  }
0x3e: {  	_ =	shalt  }
0x3f: {  	_ =	shalt  }
0x40: {  	_ =	shalt  }
0x41: {  	_ =	shalt  }
0x42: {  	_ =	shalt  }
0x43: {  	_ =	shalt  }
0x44: {  	_ =	shalt  }
0x45: {  	_ =	shalt  }
0x46: {  	_ =	shalt  }
0x47: {  	_ =	shalt  }
0x48: {  	_ =	shalt  }
0x49: {  	_ =	shalt  }
0x4a: {  	_ =	shalt  }
0x4b: {  	_ =	shalt  }
0x4c: {  	_ =	shalt  }
0x4d: {  	_ =	shalt  }
0x4e: {  	_ =	shalt  }
0x4f: {  	_ =	shalt  }
0x50: {  	_ =	shalt  }
0x51: {  	_ =	shalt  }
0x52: {  	_ =	shalt  }
0x53: {  	_ =	shalt  }
0x54: {  	_ =	shalt  }
0x55: {  	_ =	shalt  }
0x56: {  	_ =	shalt  }
0x57: {  	_ =	shalt  }
0x58: {  	_ =	shalt  }
0x59: {  	_ =	shalt  }
0x5a: {  	_ =	shalt  }
0x5b: {  	_ =	shalt  }
0x5c: {  	_ =	shalt  }
0x5d: {  	_ =	shalt  }
0x5e: {  	_ =	shalt  }
0x5f: {  	_ =	shalt  }
0x60: {  	_ =	shalt  }
0x61: {  	_ =	shalt  }
0x62: {  	_ =	shalt  }
0x63: {  	_ =	shalt  }
0x64: {  	_ =	shalt  }
0x65: {  	_ =	shalt  }
0x66: {  	_ =	shalt  }
0x67: {  	_ =	shalt  }
0x68: {  	_ =	shalt  }
0x69: {  	_ =	shalt  }
0x6a: {  	_ =	shalt  }
0x6b: {  	_ =	shalt  }
0x6c: {  	_ =	shalt  }
0x6d: {  	_ =	shalt  }
0x6e: {  	_ =	shalt  }
0x6f: {  	_ =	shalt  }
0x70: {  	_ =	shalt  }
0x71: {  	_ =	shalt  }
0x72: {  	_ =	shalt  }
0x73: {  	_ =	shalt  }
0x74: {  	_ =	shalt  }
0x75: {  	_ =	shalt  }
0x76: {  	_ =	shalt  }
0x77: {  	_ =	shalt  }
0x78: {  	_ =	shalt  }
0x79: {  	_ =	shalt  }
0x7a: {  	_ =	shalt  }
0x7b: {  	_ =	shalt  }
0x7c: {  	_ =	shalt  }
0x7d: {  	_ =	shalt  }
0x7e: {  	_ =	shalt  }
0x7f: {  	_ =	shalt  }
0x80: {  	_ =	shalt  }
0x81: {  	_ =	shalt  }
0x82: {  	_ =	shalt  }
0x83: {  	_ =	shalt  }
0x84: {  	_ =	shalt  }
0x85: {  	_ =	shalt  }
0x86: {  	_ =	shalt  }
0x87: {  	_ =	shalt  }
.Lfunc_end0:
.L_simem_size_0:
called_computation_lowered:
.L_overlay_start_0:
0x88: {  	s2 =	sld [smem:$0x3FD9]  }
0x89: {  	s3 =	sld [smem:$0x3FFE];
	_ =	sdelay $0x1  }
0x8a: {  	s1 =	srdreg.scid  }
0x8b: {  	s0 =	sand.u32 $0x1, s1  }
0x8c: {  	s18 =	sshll.u32 s0, $0xA;
	s2 =	sadd.s32 s3, s2  }
0x8d: {  	s2 =	sadd.s32 s2, s18  }
0x8e: {  	[smem:$0x3FC3] =	sst s2  }
0x8f: {  	_ = 	snop  }
0x90: {  	s2 =	sld [smem:$0x3FC7]  }
0x91: {  	s19 =	sld [smem:$0x3FD0];
	(tm) =	ssettm $0x1  }
0x92: {  	s4 =	sld [smem:$0x3FFB];
	_ =	sdelay $0x3  }
0x93: {  	_ =	strace s4  }
0x94: {  	s4 =	sld [smem:$0x3FFC];
	_ =	sdelay $0x3  }
0x95: {  	_ =	strace s4  }
0x96: {  	s4 =	sld [smem:$0x3FFD];
	_ =	sdelay $0x3  }
0x97: {  	_ =	strace s4  }
0x98: {  	_ =	strace $0x8FFFFFFF  }
0x99: {  	s20 =	sld [smem:$0x3FDB];
	_ =	sdelay $0x1  }
0x9a: {  	s5 =	simm.s32 $_scs_section_size  }
0x9b: {  	s6 =	simm.s32 $_size__tile_overlayer_lowered;
	s7 =	simm.s32 $_tile_overlayer_lowered  }
0x9c: {  	s23 =	simm.s32 $0x1BFF;
	s22 =	sshll.u32 s7, $0x1;
	s4 =	sadd.s32 s5, s20  }
0x9d: {  	s8 =	simm.s32 $0x0;
	s21 =	sshll.u32 s6, $0x1;
	s6 =	sadd.s32 s22, s4  }
0x9e: {  	[timem:s8], [sflag:s23] =	dma.local [hbm:s6], s21  }
0x9f: {  	_ =	swait.ge [sflag:s23], s21  }
0xa0: {  	s5 =	ssub.s32 $0x0, s21;
	[sflag:s23] =	ssyncset.done $0x0  }
0xa1: {  	[sflag:s23] =	ssyncadd.s32 s5;
	_ =	sdelay $0x1  }
0xa2: {  	s24 =	simm.s32 $0x1B8B  }
0xa3: {  	_ =	swait.ge [sflag:s24], $0x1  }
0xa4: {  	[sflag:s24] =	ssyncset.done $0x0  }
0xa5: {  	s25 =	simm.s32 $0x1B8E;
	[sflag:s24] =	ssyncadd.s32 $0xFFFFFFFF  }
0xa6: {  	s26 =	simm.s32 $execute0_lowered;
	[smem:$0x3FD2] =	sst s25  }
0xa7: {  	s5 =	sshll.u32 s26, $0x1;
	_ =	strace $0x80000046;
	[dreg:$0x1] =	wrdreg $0xFFFFFFFF  }
0xa8: {  	s28 =	simm.s32 $_size_execute0_lowered;
	s4 =	sadd.s32 s4, s5;
	[dreg:$0x0] =	wrdreg $0x0  }
0xa9: {  	s5 =	sshll.u32 s28, $0x1;
	[dreg:$0x2] =	wrdreg s4  }
0xaa: {  	[dreg:$0x3] =	wrdreg s5  }
0xab: {  	[dreg:$0x4] =	wrdreg $0xC0  }
0xac: {  	_ =	task [dreg:s8], $0x5FFFF  }
0xad: {  	[dreg:$0x1] =	wrdreg $0xFFFFFFFF  }
0xae: {  	[dreg:$0x0] =	wrdreg $0x60  }
0xaf: {  	[dreg:$0x2] =	wrdreg s2  }
0xb0: {  	[dreg:$0x3] =	wrdreg s19  }
0xb1: {  	[dreg:$0x4] =	wrdreg $0x9  }
0xb2: {  	_ =	task.clear_ibuf [dreg:s8], $0x5FFFF;
	_ =	strace $0x90000046  }
0xb3: {  	s29 =	simm.s32 $0x9;
	_ =	strace $0x80000048  }
0xb4: {  	_ =	swait.ge [sflag:s29], $0x1  }
0xb5: {  	[sflag:s29] =	ssyncadd.s32 $0xFFFFFFFF  }
0xb6: {  	_ =	strace $0x90000048  }
0xb7: {  	_ =	sfence  }
0xb8: {  	s30 =	sld [smem:$0x0];
	_ =	sdelay $0x2  }
0xb9: {  	s31 =	sshll.u32 s1, $0xD;
	s1 =	sshrl.u32 s1, $0x2  }
0xba: {  	s3 =	sand.u32 $0x4000, s31;
	s1 =	sadd.s32 s1, s30  }
0xbb: {  	s0 =	sor.u32 s3, s0;
	s1 =	sshll.u32 s1, $0x11  }
0xbc: {  	s0 =	sor.u32 s1, s0  }
0xbd: {  	s0 =	sadd.s32 $0x8F2B, s0  }
0xbe: {  	[sflag:s0] =	ssyncadd.remote.s32 $0x1  }
0xbf: {  	_ =	sfence.sel $0xFFFF  }
0xc0: {  	[dreg:$0x0] =	wrdreg $0xFFFFFFFF;
	(pc) =	sbr.abs _section_cstart, $3  }
0xc1: {  	[dreg:$0x1] =	wrdreg $0xFFFFFFFF  }
0xc2: {  	_ =	task.clear_ibuf [dreg:s8], $0x2FFFF;
	_ =	strace $0x9FFFFFFF  }
0xc3: {  	(tm) =	ssettm $0x7FFFFFFF  }
tec
execute0_lowered:
.L_overlay_start_1:
0x0: {  	(tag) =	ssettag $0x1  }
0x1: {  	s0 =	srdreg.scid  }
0x2: {  	s4 =	sand.u32 $0x1, s0;
	s0 =	stileid.u32  }
0x3: {  	s5 =	sor.u32 s0, s4  }
0x4: {  	p0 =	sne.s32 s5, $0x0  }
.Ltmp0:
0x5: {  	_ = 	snop;
	(pc) =	sbr.rel @p0 .LBB2_3-.Ltmp0, $4  }
0x6: {  	_ = 	snop  }
0x7: {  	s2 =	rddreg [dreg:$0x0]  }
0x8: {  	s3 =	rddreg [dreg:$0x1]  }
0x9: {  	s1 =	rddreg [dreg:$0x2];
	_ =	strace $0x80000047  }
0xa: {  	s4 =	ssub.s32 $0x2, s4  }
0xb: {  	s6 =	simm.s32 $0x1;
	s5 =	sshrl.u32 s4, $0x1  }
0xc: {  	v0 =	vimm.f32 $0.0e+00;
	v1 =	vimm.f32 $1.000000000e+00;
	s7 =	simm.s32 $0x400;
	s4 =	ssub.s32 s4, s5;
	s5 =	simm.s32 $0x0  }
.LBB2_2:
0xd: {  	[tilespmem:s5], [sflag:$0x1] =	stream.linear.gather [hbm4b:s2+s5], $0x400, $0x38;
	[tilespmem:$0x480] =	vst v63  }
0xe: {  	_ =	swait.ge [sflag:s6], $0x400  }
0xf: {  	[sflag:s6] =	ssyncset.done $0x0  }
0x10: {  	[sflag:s6] =	ssyncadd.s32 $0xFFFFFC00  }
0x11: {  	[tilespmem:$0x400] =	vst v0;
	v2 =	vld [tilespmem:$0x0]  }
0x12: {  	[tilespmem:$0x410] =	vst v0  }
0x13: {  	[tilespmem:$0x420] =	vst v0  }
0x14: {  	[tilespmem:$0x430] =	vst v0  }
0x15: {  	[tilespmem:$0x440] =	vst v0  }
0x16: {  	[tilespmem:$0x450] =	vst v0  }
0x17: {  	[tilespmem:$0x460] =	vst v0  }
0x18: {  	[tilespmem:$0x470] =	vst v0  }
0x19: {  	[tilespmem:v2+s7+$0x0] =	vst.idx.add.f32.msk $0xffff, v1  }
0x1a: {  	v2 =	vld [tilespmem:$0x10];
	_ =	sdelay $0x7  }
0x1b: {  	[tilespmem:v2+s7+$0x0] =	vst.idx.add.f32.msk $0xffff, v1  }
0x1c: {  	v2 =	vld [tilespmem:$0x20];
	_ =	sdelay $0x7  }
0x1d: {  	[tilespmem:v2+s7+$0x0] =	vst.idx.add.f32.msk $0xffff, v1  }
0x1e: {  	v2 =	vld [tilespmem:$0x30];
	_ =	sdelay $0x7  }
0x1f: {  	[tilespmem:v2+s7+$0x0] =	vst.idx.add.f32.msk $0xffff, v1  }
0x20: {  	v2 =	vld [tilespmem:$0x40];
	_ =	sdelay $0x7  }
0x21: {  	[tilespmem:v2+s7+$0x0] =	vst.idx.add.f32.msk $0xffff, v1  }
0x22: {  	v2 =	vld [tilespmem:$0x50];
	_ =	sdelay $0x7  }
0x23: {  	[tilespmem:v2+s7+$0x0] =	vst.idx.add.f32.msk $0xffff, v1  }
0x24: {  	v2 =	vld [tilespmem:$0x60];
	_ =	sdelay $0x7  }
0x25: {  	[tilespmem:v2+s7+$0x0] =	vst.idx.add.f32.msk $0xffff, v1  }
0x26: {  	v2 =	vld [tilespmem:$0x70];
	_ =	sdelay $0x7  }
0x27: {  	[tilespmem:v2+s7+$0x0] =	vst.idx.add.f32.msk $0xffff, v1  }
0x28: {  	v2 =	vld [tilespmem:$0x80];
	_ =	sdelay $0x7  }
0x29: {  	[tilespmem:v2+s7+$0x0] =	vst.idx.add.f32.msk $0xffff, v1  }
0x2a: {  	v2 =	vld [tilespmem:$0x90];
	_ =	sdelay $0x7  }
0x2b: {  	[tilespmem:v2+s7+$0x0] =	vst.idx.add.f32.msk $0xffff, v1  }
0x2c: {  	v2 =	vld [tilespmem:$0xA0];
	_ =	sdelay $0x7  }
0x2d: {  	[tilespmem:v2+s7+$0x0] =	vst.idx.add.f32.msk $0xffff, v1  }
0x2e: {  	v2 =	vld [tilespmem:$0xB0];
	_ =	sdelay $0x7  }
0x2f: {  	[tilespmem:v2+s7+$0x0] =	vst.idx.add.f32.msk $0xffff, v1  }
0x30: {  	v2 =	vld [tilespmem:$0xC0];
	_ =	sdelay $0x7  }
0x31: {  	[tilespmem:v2+s7+$0x0] =	vst.idx.add.f32.msk $0xffff, v1  }
0x32: {  	v2 =	vld [tilespmem:$0xD0];
	_ =	sdelay $0x7  }
0x33: {  	[tilespmem:v2+s7+$0x0] =	vst.idx.add.f32.msk $0xffff, v1  }
0x34: {  	v2 =	vld [tilespmem:$0xE0];
	_ =	sdelay $0x7  }
0x35: {  	[tilespmem:v2+s7+$0x0] =	vst.idx.add.f32.msk $0xffff, v1  }
0x36: {  	v2 =	vld [tilespmem:$0xF0];
	_ =	sdelay $0x7  }
0x37: {  	[tilespmem:v2+s7+$0x0] =	vst.idx.add.f32.msk $0xffff, v1  }
0x38: {  	v2 =	vld [tilespmem:$0x100];
	_ =	sdelay $0x7  }
0x39: {  	[tilespmem:v2+s7+$0x0] =	vst.idx.add.f32.msk $0xffff, v1  }
0x3a: {  	v2 =	vld [tilespmem:$0x110];
	_ =	sdelay $0x7  }
0x3b: {  	[tilespmem:v2+s7+$0x0] =	vst.idx.add.f32.msk $0xffff, v1  }
0x3c: {  	v2 =	vld [tilespmem:$0x120];
	_ =	sdelay $0x7  }
0x3d: {  	[tilespmem:v2+s7+$0x0] =	vst.idx.add.f32.msk $0xffff, v1  }
0x3e: {  	v2 =	vld [tilespmem:$0x130];
	_ =	sdelay $0x7  }
0x3f: {  	[tilespmem:v2+s7+$0x0] =	vst.idx.add.f32.msk $0xffff, v1  }
0x40: {  	v2 =	vld [tilespmem:$0x140];
	_ =	sdelay $0x7  }
0x41: {  	[tilespmem:v2+s7+$0x0] =	vst.idx.add.f32.msk $0xffff, v1  }
0x42: {  	v2 =	vld [tilespmem:$0x150];
	_ =	sdelay $0x7  }
0x43: {  	[tilespmem:v2+s7+$0x0] =	vst.idx.add.f32.msk $0xffff, v1  }
0x44: {  	v2 =	vld [tilespmem:$0x160];
	_ =	sdelay $0x7  }
0x45: {  	[tilespmem:v2+s7+$0x0] =	vst.idx.add.f32.msk $0xffff, v1  }
0x46: {  	v2 =	vld [tilespmem:$0x170];
	_ =	sdelay $0x7  }
0x47: {  	[tilespmem:v2+s7+$0x0] =	vst.idx.add.f32.msk $0xffff, v1  }
0x48: {  	v2 =	vld [tilespmem:$0x180];
	_ =	sdelay $0x7  }
0x49: {  	[tilespmem:v2+s7+$0x0] =	vst.idx.add.f32.msk $0xffff, v1  }
0x4a: {  	v2 =	vld [tilespmem:$0x190];
	_ =	sdelay $0x7  }
0x4b: {  	[tilespmem:v2+s7+$0x0] =	vst.idx.add.f32.msk $0xffff, v1  }
0x4c: {  	v2 =	vld [tilespmem:$0x1A0];
	_ =	sdelay $0x7  }
0x4d: {  	[tilespmem:v2+s7+$0x0] =	vst.idx.add.f32.msk $0xffff, v1  }
0x4e: {  	v2 =	vld [tilespmem:$0x1B0];
	_ =	sdelay $0x7  }
0x4f: {  	[tilespmem:v2+s7+$0x0] =	vst.idx.add.f32.msk $0xffff, v1  }
0x50: {  	v2 =	vld [tilespmem:$0x1C0];
	_ =	sdelay $0x7  }
0x51: {  	[tilespmem:v2+s7+$0x0] =	vst.idx.add.f32.msk $0xffff, v1  }
0x52: {  	v2 =	vld [tilespmem:$0x1D0];
	_ =	sdelay $0x7  }
0x53: {  	[tilespmem:v2+s7+$0x0] =	vst.idx.add.f32.msk $0xffff, v1  }
0x54: {  	v2 =	vld [tilespmem:$0x1E0];
	_ =	sdelay $0x7  }
0x55: {  	[tilespmem:v2+s7+$0x0] =	vst.idx.add.f32.msk $0xffff, v1  }
0x56: {  	v2 =	vld [tilespmem:$0x1F0];
	_ =	sdelay $0x7  }
0x57: {  	[tilespmem:v2+s7+$0x0] =	vst.idx.add.f32.msk $0xffff, v1  }
0x58: {  	v2 =	vld [tilespmem:$0x200];
	_ =	sdelay $0x7  }
0x59: {  	[tilespmem:v2+s7+$0x0] =	vst.idx.add.f32.msk $0xffff, v1  }
0x5a: {  	v2 =	vld [tilespmem:$0x210];
	_ =	sdelay $0x7  }
0x5b: {  	[tilespmem:v2+s7+$0x0] =	vst.idx.add.f32.msk $0xffff, v1  }
0x5c: {  	v2 =	vld [tilespmem:$0x220];
	_ =	sdelay $0x7  }
0x5d: {  	[tilespmem:v2+s7+$0x0] =	vst.idx.add.f32.msk $0xffff, v1  }
0x5e: {  	v2 =	vld [tilespmem:$0x230];
	_ =	sdelay $0x7  }
0x5f: {  	[tilespmem:v2+s7+$0x0] =	vst.idx.add.f32.msk $0xffff, v1  }
0x60: {  	v2 =	vld [tilespmem:$0x240];
	_ =	sdelay $0x7  }
0x61: {  	[tilespmem:v2+s7+$0x0] =	vst.idx.add.f32.msk $0xffff, v1  }
0x62: {  	v2 =	vld [tilespmem:$0x250];
	_ =	sdelay $0x7  }
0x63: {  	[tilespmem:v2+s7+$0x0] =	vst.idx.add.f32.msk $0xffff, v1  }
0x64: {  	v2 =	vld [tilespmem:$0x260];
	_ =	sdelay $0x7  }
0x65: {  	[tilespmem:v2+s7+$0x0] =	vst.idx.add.f32.msk $0xffff, v1  }
0x66: {  	v2 =	vld [tilespmem:$0x270];
	_ =	sdelay $0x7  }
0x67: {  	[tilespmem:v2+s7+$0x0] =	vst.idx.add.f32.msk $0xffff, v1  }
0x68: {  	v2 =	vld [tilespmem:$0x280];
	_ =	sdelay $0x7  }
0x69: {  	[tilespmem:v2+s7+$0x0] =	vst.idx.add.f32.msk $0xffff, v1  }
0x6a: {  	v2 =	vld [tilespmem:$0x290];
	_ =	sdelay $0x7  }
0x6b: {  	[tilespmem:v2+s7+$0x0] =	vst.idx.add.f32.msk $0xffff, v1  }
0x6c: {  	v2 =	vld [tilespmem:$0x2A0];
	_ =	sdelay $0x7  }
0x6d: {  	[tilespmem:v2+s7+$0x0] =	vst.idx.add.f32.msk $0xffff, v1  }
0x6e: {  	v2 =	vld [tilespmem:$0x2B0];
	_ =	sdelay $0x7  }
0x6f: {  	[tilespmem:v2+s7+$0x0] =	vst.idx.add.f32.msk $0xffff, v1  }
0x70: {  	v2 =	vld [tilespmem:$0x2C0];
	_ =	sdelay $0x7  }
0x71: {  	[tilespmem:v2+s7+$0x0] =	vst.idx.add.f32.msk $0xffff, v1  }
0x72: {  	v2 =	vld [tilespmem:$0x2D0];
	_ =	sdelay $0x7  }
0x73: {  	[tilespmem:v2+s7+$0x0] =	vst.idx.add.f32.msk $0xffff, v1  }
0x74: {  	v2 =	vld [tilespmem:$0x2E0];
	_ =	sdelay $0x7  }
0x75: {  	[tilespmem:v2+s7+$0x0] =	vst.idx.add.f32.msk $0xffff, v1  }
0x76: {  	v2 =	vld [tilespmem:$0x2F0];
	_ =	sdelay $0x7  }
0x77: {  	[tilespmem:v2+s7+$0x0] =	vst.idx.add.f32.msk $0xffff, v1  }
0x78: {  	v2 =	vld [tilespmem:$0x300];
	_ =	sdelay $0x7  }
0x79: {  	[tilespmem:v2+s7+$0x0] =	vst.idx.add.f32.msk $0xffff, v1  }
0x7a: {  	v2 =	vld [tilespmem:$0x310];
	_ =	sdelay $0x7  }
0x7b: {  	[tilespmem:v2+s7+$0x0] =	vst.idx.add.f32.msk $0xffff, v1  }
0x7c: {  	v2 =	vld [tilespmem:$0x320];
	_ =	sdelay $0x7  }
0x7d: {  	[tilespmem:v2+s7+$0x0] =	vst.idx.add.f32.msk $0xffff, v1  }
0x7e: {  	v2 =	vld [tilespmem:$0x330];
	_ =	sdelay $0x7  }
0x7f: {  	[tilespmem:v2+s7+$0x0] =	vst.idx.add.f32.msk $0xffff, v1  }
0x80: {  	v2 =	vld [tilespmem:$0x340];
	_ =	sdelay $0x7  }
0x81: {  	[tilespmem:v2+s7+$0x0] =	vst.idx.add.f32.msk $0xffff, v1  }
0x82: {  	v2 =	vld [tilespmem:$0x350];
	_ =	sdelay $0x7  }
0x83: {  	[tilespmem:v2+s7+$0x0] =	vst.idx.add.f32.msk $0xffff, v1  }
0x84: {  	v2 =	vld [tilespmem:$0x360];
	_ =	sdelay $0x7  }
0x85: {  	[tilespmem:v2+s7+$0x0] =	vst.idx.add.f32.msk $0xffff, v1  }
0x86: {  	v2 =	vld [tilespmem:$0x370];
	_ =	sdelay $0x7  }
0x87: {  	[tilespmem:v2+s7+$0x0] =	vst.idx.add.f32.msk $0xffff, v1  }
0x88: {  	v2 =	vld [tilespmem:$0x380];
	_ =	sdelay $0x7  }
0x89: {  	[tilespmem:v2+s7+$0x0] =	vst.idx.add.f32.msk $0xffff, v1  }
0x8a: {  	v2 =	vld [tilespmem:$0x390];
	_ =	sdelay $0x7  }
0x8b: {  	[tilespmem:v2+s7+$0x0] =	vst.idx.add.f32.msk $0xffff, v1  }
0x8c: {  	v2 =	vld [tilespmem:$0x3A0];
	_ =	sdelay $0x7  }
0x8d: {  	[tilespmem:v2+s7+$0x0] =	vst.idx.add.f32.msk $0xffff, v1  }
0x8e: {  	v2 =	vld [tilespmem:$0x3B0];
	_ =	sdelay $0x7  }
0x8f: {  	[tilespmem:v2+s7+$0x0] =	vst.idx.add.f32.msk $0xffff, v1  }
0x90: {  	v2 =	vld [tilespmem:$0x3C0];
	_ =	sdelay $0x7  }
0x91: {  	[tilespmem:v2+s7+$0x0] =	vst.idx.add.f32.msk $0xffff, v1  }
0x92: {  	v2 =	vld [tilespmem:$0x3D0];
	_ =	sdelay $0x7  }
0x93: {  	[tilespmem:v2+s7+$0x0] =	vst.idx.add.f32.msk $0xffff, v1  }
0x94: {  	v2 =	vld [tilespmem:$0x3E0];
	_ =	sdelay $0x7  }
0x95: {  	[tilespmem:v2+s7+$0x0] =	vst.idx.add.f32.msk $0xffff, v1  }
0x96: {  	v2 =	vld [tilespmem:$0x3F0];
	_ =	sdelay $0x6  }
0x97: {  	p0 =	sne.s32 s4, $0x1  }
.Ltmp1:
0x98: {  	[tilespmem:v2+s7+$0x0] =	vst.idx.add.f32.msk $0xffff, v1;
	(pc) =	sbr.rel @p0 .LBB2_2-.Ltmp1, $4  }
0x99: {  	[hbm4b:s3+s5] =	stream.linear.scatter [tilespmem:s7], [sflag:$0x1], $0x80, $0x38;
	[tilespmem:$0x480] =	vst v63  }
0x9a: {  	_ =	swait.ge [sflag:s6], $0x80  }
0x9b: {  	[sflag:s6] =	ssyncset.done $0x0  }
0x9c: {  	s4 =	sadd.s32 $0xFFFFFFFF, s4;
	[sflag:s6] =	ssyncadd.s32 $0xFFFFFF80  }
.LBB2_3:
0x9d: {  	_ =	sfence.sel $0x180000  }
0x9e: {  	[bflag:$0x0] =	sbarrier.arrive $0xFFFF  }
0x9f: {  	p0 =	sne.s32 s0, $0x0;
	_ =	strace $0x90000047  }
0xa0: {  	s0 =	sadd.s32 @!p0 $0x100000, s1;
	[bflag:$0x2] =	sbarrier.arrive $0xFFFF  }
0xa1: {  	[sflag:s0] =	ssyncadd.tile.s32 @!p0 $0x1;
	_ =	shalt  }
.Lfunc_end2:
_tile_overlayer_lowered:
.L_overlay_start_2:
0xa2: {  	(tag) =	ssettag $0x2  }
0xa3: {  	s0 =	rddreg [dreg:$0x0];
	s2 =	stileid.u32  }
0xa4: {  	s1 =	rddreg [dreg:$0x1];
	p0 =	sne.s32 s2, $0x0  }
0xa5: {  	s3 =	rddreg [dreg:$0x2];
	[bflag:$0x3] =	sbarrier.arrive $0xFFFF;
	s2 =	simm.s32 @!p0 $0x1C01  }
0xa6: {  	[timem:s3], [sflag:s2] =	dma.local @!p0 [hbm:s0], s1  }
0xa7: {  	s0 =	simm.s32 @!p0 $0x1  }
0xa8: {  	_ =	swait.ge @!p0 [sflag:s0], s1  }
0xa9: {  	s1 =	ssub.s32 @!p0 $0x0, s1;
	[sflag:s0] =	ssyncset.done @!p0 $0x0  }
0xaa: {  	[sflag:s0] =	ssyncadd.s32 @!p0 s1  }
0xab: {  	[bflag:$0x3] =	sbarrier.arrive $0xFFFF  }
0xac: {  	_ =	shalt  }

</sc_bundles>
